<compile_context>
chip_gen: v7x
topology: tpu7x:2x2x1
jax: 0.10.2.dev20260603
libtpu: 0.0.44.dev20260713+nightly
codegen_flags: <defaults>
</compile_context>

<pallas_src>
import functools

import jax
import jax.numpy as jnp
from jax import lax
from jax.experimental import pallas as pl
from jax.experimental.pallas import tpu as pltpu
from jax.experimental.pallas import tpu_sc as plsc

N = 4096


def _permute_rows(y_flat, perm):
    info = plsc.get_sparse_core_info()
    NC, NS = info.num_cores, info.num_subcores
    NW = NC * NS
    R = y_flat.shape[0] // N
    rows_per_w = R // NW
    RB = 4
    n_blocks = rows_per_w // RB

    mesh = plsc.VectorSubcoreMesh(core_axis_name="c", subcore_axis_name="s")

    @functools.partial(
        pl.kernel,
        mesh=mesh,
        out_type=jax.ShapeDtypeStruct((R * N,), jnp.float32),
        compiler_params=pltpu.CompilerParams(
            needs_layout_passes=False, use_tc_tiling_on_sc=False
        ),
        scratch_types=[
            pltpu.VMEM((N,), jnp.int32),
            pltpu.VMEM((RB * N,), jnp.float32),
            pltpu.VMEM((RB * N,), jnp.float32),
            pltpu.VMEM((RB * N,), jnp.float32),
            pltpu.VMEM((RB * N,), jnp.float32),
            pltpu.SemaphoreType.DMA,
            pltpu.SemaphoreType.DMA,
            pltpu.SemaphoreType.DMA,
            pltpu.SemaphoreType.DMA,
            pltpu.VMEM_SHARED((2, 128 * N), jnp.float32),
        ],
    )
    def k(y_hbm, perm_hbm, out_hbm, perm_v, in0, in1, o0, o1,
          si0, si1, so0, so1, sh):
        wid = lax.axis_index("s") * NC + lax.axis_index("c")
        base = wid * rows_per_w
        pltpu.sync_copy(perm_hbm, perm_v)

        def in_slice(b):
            return y_hbm.at[pl.ds((base + b * RB) * N, RB * N)]

        def out_slice(b):
            return out_hbm.at[pl.ds((base + b * RB) * N, RB * N)]

        def gather_block(src, dst):
            @plsc.parallel_loop(0, N // 16, unroll=8)
            def col(kk):
                idx = perm_v[pl.ds(kk * 16, 16)]
                for r in range(RB):
                    v = plsc.load_gather(src, [idx + r * N])
                    dst[pl.ds(r * N + kk * 16, 16)] = v

        cid = lax.axis_index("c")
        sid = lax.axis_index("s")
        CH = 128
        half = (R // 2) * N
        nch = (R // 2) // CH

        @pl.when(sid == 0)
        def _():
            hb = cid * half

            def ch_slice(b):
                return y_hbm.at[pl.ds(hb + b * CH * N, CH * N)]

            pltpu.async_copy(ch_slice(0), sh.at[0], si0)
            pltpu.async_copy(ch_slice(1), sh.at[1], si1)

            def lp(i, carry):
                b = i * 2
                pltpu.make_async_copy(ch_slice(b), sh.at[0], si0).wait()

                @pl.when(b + 2 < nch)
                def _():
                    pltpu.async_copy(ch_slice(b + 2), sh.at[0], si0)

                pltpu.make_async_copy(ch_slice(b + 1), sh.at[1], si1).wait()

                @pl.when(b + 3 < nch)
                def _():
                    pltpu.async_copy(ch_slice(b + 3), sh.at[1], si1)

                return carry

            lax.fori_loop(0, nch // 2, lp, 0)
            pltpu.sync_copy(sh.at[0].at[pl.ds(0, RB * N)],
                            out_hbm.at[pl.ds(hb, RB * N)])
        return

        pltpu.async_copy(in_slice(0), in0, si0)
        pltpu.async_copy(in_slice(1), in1, si1)

        def phase(b, in_v, o_v, si, so):
            pltpu.make_async_copy(in_slice(b), in_v, si).wait()

            @pl.when(b >= 2)
            def _():
                pltpu.make_async_copy(o_v, out_slice(b - 2), so).wait()

            pltpu.async_copy(o_v, out_slice(b), so)

            @pl.when(b + 2 < n_blocks)
            def _():
                pltpu.async_copy(in_slice(b + 2), in_v, si)

        def blk(i, carry):
            b = i * 2
            phase(b, in0, o0, si0, so0)
            phase(b + 1, in1, o1, si1, so1)
            return carry

        lax.fori_loop(0, n_blocks // 2, blk, 0)
        pltpu.make_async_copy(o0, out_slice(n_blocks - 2), so0).wait()
        pltpu.make_async_copy(o1, out_slice(n_blocks - 1), so1).wait()

    return k(y_flat, perm)


def kernel(y, perm):
    B, S, _ = y.shape
    y_flat = y.reshape(B * S * N)
    out = _permute_rows(y_flat, perm.astype(jnp.int32))
    return out.reshape(B, S, N)

# --- scband reference (transcript-rebuilt; emitter-appended) ---
"""Pipeline reference for scband-random-permute1-d-24412594111181 (READ-ONLY COPY).

The authoritative reference and input builder live on the scoring server;
editing this copy changes nothing except your own understanding.
"""

import jax, jax.numpy as jnp
import numpy as np

N = 4096

def setup_inputs(seed: int = 0) -> dict:
    key = jax.random.key(seed)
    k_y, k_perm = jax.random.split(key)
    y = jax.random.normal(k_y, (4, 4096, N), dtype=jnp.float32)
    # Fixed random permutation buffer built at __init__ time (seed=0)
    perm = jax.random.permutation(k_perm, jnp.arange(N, dtype=jnp.int64))
    return {"y": y, "perm": perm}

def reference(y, perm):
    # forward: y.index_select(dim=-1, index=self.perm)
    return jnp.take(y, perm, axis=-1)

if __name__ == "__main__":
    import jax
    _d = setup_inputs()
    print(jax.jit(kernel)(*tuple(_d.values())))

</pallas_src>

<mosaic_0001>
#map = affine_map<(d0, d1) -> (0)>
module attributes {stable_mosaic.version = 14 : i64} {
  func.func @k(%arg0: i32, %arg1: i32, %arg2: memref<67108864xf32, #tpu.memory_space<hbm>>, %arg3: memref<4096xi32, #tpu.memory_space<hbm>>, %arg4: memref<67108864xf32, #tpu.memory_space<hbm>>, %arg5: memref<4096xi32, #tpu.memory_space<vmem>>, %arg6: memref<16384xf32, #tpu.memory_space<vmem>>, %arg7: memref<16384xf32, #tpu.memory_space<vmem>>, %arg8: memref<16384xf32, #tpu.memory_space<vmem>>, %arg9: memref<16384xf32, #tpu.memory_space<vmem>>, %arg10: memref<!tpu.dma_semaphore, #tpu.memory_space<semaphore_mem>>, %arg11: memref<!tpu.dma_semaphore, #tpu.memory_space<semaphore_mem>>, %arg12: memref<!tpu.dma_semaphore, #tpu.memory_space<semaphore_mem>>, %arg13: memref<!tpu.dma_semaphore, #tpu.memory_space<semaphore_mem>>, %arg14: memref<2x524288xf32, #tpu.memory_space<vmem_shared>>) attributes {dimension_semantics = [#tpu.dimension_semantics<core_parallel>, #tpu.dimension_semantics<subcore_parallel>], iteration_bounds = array<i64: 2, 16>, scalar_prefetch = 0 : i64, scratch_operands = 10 : i64, tpu.core_type = #tpu.core_type<sc_vector_subcore>, window_params = [{transform_indices = #map}, {transform_indices = #map}, {transform_indices = #map}]} {
    %mul3A = arith.constant 2 : i32
    %mul3A_0 = arith.muli %arg1, %mul3A : i32
    %add3A = arith.addi %mul3A_0, %arg0 : i32
    %mul3A_1 = arith.constant 512 : i32
    %mul3A_2 = arith.muli %add3A, %mul3A_1 : i32
    "tpu.region"() ({
      %run_scoped3A = tpu.sem_alloc : memref<!tpu.dma_semaphore, #tpu.memory_space<semaphore_mem>>
      tpu.enqueue_dma source(%arg3 : memref<4096xi32, #tpu.memory_space<hbm>>) target(%arg5 : memref<4096xi32, #tpu.memory_space<vmem>>) target_semaphore(%run_scoped3A : memref<!tpu.dma_semaphore, #tpu.memory_space<semaphore_mem>>)
      tpu.wait_dma2 semaphore(%run_scoped3A : memref<!tpu.dma_semaphore, #tpu.memory_space<semaphore_mem>>) src(%arg3 : memref<4096xi32, #tpu.memory_space<hbm>>) dst(%arg5 : memref<4096xi32, #tpu.memory_space<vmem>>)
      tpu.yield
    }) : () -> ()
    %eq3A = arith.constant 0 : i32
    %eq3A_3 = arith.cmpi eq, %arg1, %eq3A : i32
    %convert_element_type3A = arith.extui %eq3A_3 : i1 to i32
    %cond3A = arith.constant 0 : i32
    %cond3A_4 = arith.cmpi ne, %convert_element_type3A, %cond3A : i32
    scf.if %cond3A_4 {
      %mul3A_5 = arith.constant 33554432 : i32
      %mul3A_6 = arith.muli %arg0, %mul3A_5 : i32
      %add3A_7 = arith.constant 0 : i32
      %add3A_8 = arith.addi %mul3A_6, %add3A_7 : i32
      %dma_start3A = arith.constant 0 : i32
      %dma_start3A_9 = arith.constant 0 : i32
      %dma_start3A_10 = tpu.memref_slice %arg14[%dma_start3A, %dma_start3A_9] : memref<2x524288xf32, #tpu.memory_space<vmem_shared>> -> memref<1x524288xf32, #tpu.memory_space<vmem_shared>>
      %dma_start3A_11 = tpu.memref_squeeze %dma_start3A_10 : memref<1x524288xf32, #tpu.memory_space<vmem_shared>> -> memref<524288xf32, #tpu.memory_space<vmem_shared>>
      %dma_start3A_12 = tpu.memref_slice %arg2[%add3A_8] : memref<67108864xf32, #tpu.memory_space<hbm>> -> memref<524288xf32, #tpu.memory_space<hbm>>
      tpu.enqueue_dma source(%dma_start3A_12 : memref<524288xf32, #tpu.memory_space<hbm>>) target(%dma_start3A_11 : memref<524288xf32, #tpu.memory_space<vmem_shared>>) target_semaphore(%arg10 : memref<!tpu.dma_semaphore, #tpu.memory_space<semaphore_mem>>)
      %add3A_13 = arith.constant 524288 : i32
      %add3A_14 = arith.addi %mul3A_6, %add3A_13 : i32
      %dma_start3A_15 = arith.constant 1 : i32
      %dma_start3A_16 = arith.constant 0 : i32
      %dma_start3A_17 = tpu.memref_slice %arg14[%dma_start3A_15, %dma_start3A_16] : memref<2x524288xf32, #tpu.memory_space<vmem_shared>> -> memref<1x524288xf32, #tpu.memory_space<vmem_shared>>
      %dma_start3A_18 = tpu.memref_squeeze %dma_start3A_17 : memref<1x524288xf32, #tpu.memory_space<vmem_shared>> -> memref<524288xf32, #tpu.memory_space<vmem_shared>>
      %dma_start3A_19 = tpu.memref_slice %arg2[%add3A_14] : memref<67108864xf32, #tpu.memory_space<hbm>> -> memref<524288xf32, #tpu.memory_space<hbm>>
      tpu.enqueue_dma source(%dma_start3A_19 : memref<524288xf32, #tpu.memory_space<hbm>>) target(%dma_start3A_18 : memref<524288xf32, #tpu.memory_space<vmem_shared>>) target_semaphore(%arg11 : memref<!tpu.dma_semaphore, #tpu.memory_space<semaphore_mem>>)
      %scan3A = arith.constant 0 : i32
      %scan3A_20 = arith.constant 0 : i32
      %scan3A_21 = arith.constant 32 : i32
      %scan3A_22 = arith.addi %scan3A_20, %scan3A_21 : i32
      %scan3A_23 = arith.constant 1 : i32
      scf.for %scan3A_25 = %scan3A_20 to %scan3A_22 step %scan3A_23  : i32 {
        %mul3A_26 = arith.constant 2 : i32
        %mul3A_27 = arith.muli %scan3A_25, %mul3A_26 : i32
        %mul3A_28 = arith.constant 128 : i32
        %mul3A_29 = arith.muli %mul3A_27, %mul3A_28 : i32
        %mul3A_30 = arith.constant 4096 : i32
        %mul3A_31 = arith.muli %mul3A_29, %mul3A_30 : i32
        %add3A_32 = arith.addi %mul3A_6, %mul3A_31 : i32
        %dma_wait3A = arith.constant 0 : i32
        %dma_wait3A_33 = arith.constant 0 : i32
        %dma_wait3A_34 = tpu.memref_slice %arg14[%dma_wait3A, %dma_wait3A_33] : memref<2x524288xf32, #tpu.memory_space<vmem_shared>> -> memref<1x524288xf32, #tpu.memory_space<vmem_shared>>
        %dma_wait3A_35 = tpu.memref_squeeze %dma_wait3A_34 : memref<1x524288xf32, #tpu.memory_space<vmem_shared>> -> memref<524288xf32, #tpu.memory_space<vmem_shared>>
        %dma_wait3A_36 = tpu.memref_slice %arg2[%add3A_32] : memref<67108864xf32, #tpu.memory_space<hbm>> -> memref<524288xf32, #tpu.memory_space<hbm>>
        tpu.wait_dma2 semaphore(%arg10 : memref<!tpu.dma_semaphore, #tpu.memory_space<semaphore_mem>>) src(%dma_wait3A_36 : memref<524288xf32, #tpu.memory_space<hbm>>) dst(%dma_wait3A_35 : memref<524288xf32, #tpu.memory_space<vmem_shared>>)
        %add3A_37 = arith.constant 2 : i32
        %add3A_38 = arith.addi %mul3A_27, %add3A_37 : i32
        %lt3A = arith.constant 64 : i32
        %lt3A_39 = arith.cmpi slt, %add3A_38, %lt3A : i32
        %convert_element_type3A_40 = arith.extui %lt3A_39 : i1 to i32
        %cond3A_41 = arith.constant 0 : i32
        %cond3A_42 = arith.cmpi ne, %convert_element_type3A_40, %cond3A_41 : i32
        scf.if %cond3A_42 {
          %add3A_62 = arith.constant 2 : i32
          %add3A_63 = arith.addi %mul3A_27, %add3A_62 : i32
          %mul3A_64 = arith.constant 128 : i32
          %mul3A_65 = arith.muli %add3A_63, %mul3A_64 : i32
          %mul3A_66 = arith.constant 4096 : i32
          %mul3A_67 = arith.muli %mul3A_65, %mul3A_66 : i32
          %add3A_68 = arith.addi %mul3A_6, %mul3A_67 : i32
          %dma_start3A_69 = arith.constant 0 : i32
          %dma_start3A_70 = arith.constant 0 : i32
          %dma_start3A_71 = tpu.memref_slice %arg14[%dma_start3A_69, %dma_start3A_70] : memref<2x524288xf32, #tpu.memory_space<vmem_shared>> -> memref<1x524288xf32, #tpu.memory_space<vmem_shared>>
          %dma_start3A_72 = tpu.memref_squeeze %dma_start3A_71 : memref<1x524288xf32, #tpu.memory_space<vmem_shared>> -> memref<524288xf32, #tpu.memory_space<vmem_shared>>
          %dma_start3A_73 = tpu.memref_slice %arg2[%add3A_68] : memref<67108864xf32, #tpu.memory_space<hbm>> -> memref<524288xf32, #tpu.memory_space<hbm>>
          tpu.enqueue_dma source(%dma_start3A_73 : memref<524288xf32, #tpu.memory_space<hbm>>) target(%dma_start3A_72 : memref<524288xf32, #tpu.memory_space<vmem_shared>>) target_semaphore(%arg10 : memref<!tpu.dma_semaphore, #tpu.memory_space<semaphore_mem>>)
        } else {
        }
        %add3A_43 = arith.constant 1 : i32
        %add3A_44 = arith.addi %mul3A_27, %add3A_43 : i32
        %mul3A_45 = arith.constant 128 : i32
        %mul3A_46 = arith.muli %add3A_44, %mul3A_45 : i32
        %mul3A_47 = arith.constant 4096 : i32
        %mul3A_48 = arith.muli %mul3A_46, %mul3A_47 : i32
        %add3A_49 = arith.addi %mul3A_6, %mul3A_48 : i32
        %dma_wait3A_50 = arith.constant 1 : i32
        %dma_wait3A_51 = arith.constant 0 : i32
        %dma_wait3A_52 = tpu.memref_slice %arg14[%dma_wait3A_50, %dma_wait3A_51] : memref<2x524288xf32, #tpu.memory_space<vmem_shared>> -> memref<1x524288xf32, #tpu.memory_space<vmem_shared>>
        %dma_wait3A_53 = tpu.memref_squeeze %dma_wait3A_52 : memref<1x524288xf32, #tpu.memory_space<vmem_shared>> -> memref<524288xf32, #tpu.memory_space<vmem_shared>>
        %dma_wait3A_54 = tpu.memref_slice %arg2[%add3A_49] : memref<67108864xf32, #tpu.memory_space<hbm>> -> memref<524288xf32, #tpu.memory_space<hbm>>
        tpu.wait_dma2 semaphore(%arg11 : memref<!tpu.dma_semaphore, #tpu.memory_space<semaphore_mem>>) src(%dma_wait3A_54 : memref<524288xf32, #tpu.memory_space<hbm>>) dst(%dma_wait3A_53 : memref<524288xf32, #tpu.memory_space<vmem_shared>>)
        %add3A_55 = arith.constant 3 : i32
        %add3A_56 = arith.addi %mul3A_27, %add3A_55 : i32
        %lt3A_57 = arith.constant 64 : i32
        %lt3A_58 = arith.cmpi slt, %add3A_56, %lt3A_57 : i32
        %convert_element_type3A_59 = arith.extui %lt3A_58 : i1 to i32
        %cond3A_60 = arith.constant 0 : i32
        %cond3A_61 = arith.cmpi ne, %convert_element_type3A_59, %cond3A_60 : i32
        scf.if %cond3A_61 {
          %add3A_62 = arith.constant 3 : i32
          %add3A_63 = arith.addi %mul3A_27, %add3A_62 : i32
          %mul3A_64 = arith.constant 128 : i32
          %mul3A_65 = arith.muli %add3A_63, %mul3A_64 : i32
          %mul3A_66 = arith.constant 4096 : i32
          %mul3A_67 = arith.muli %mul3A_65, %mul3A_66 : i32
          %add3A_68 = arith.addi %mul3A_6, %mul3A_67 : i32
          %dma_start3A_69 = arith.constant 1 : i32
          %dma_start3A_70 = arith.constant 0 : i32
          %dma_start3A_71 = tpu.memref_slice %arg14[%dma_start3A_69, %dma_start3A_70] : memref<2x524288xf32, #tpu.memory_space<vmem_shared>> -> memref<1x524288xf32, #tpu.memory_space<vmem_shared>>
          %dma_start3A_72 = tpu.memref_squeeze %dma_start3A_71 : memref<1x524288xf32, #tpu.memory_space<vmem_shared>> -> memref<524288xf32, #tpu.memory_space<vmem_shared>>
          %dma_start3A_73 = tpu.memref_slice %arg2[%add3A_68] : memref<67108864xf32, #tpu.memory_space<hbm>> -> memref<524288xf32, #tpu.memory_space<hbm>>
          tpu.enqueue_dma source(%dma_start3A_73 : memref<524288xf32, #tpu.memory_space<hbm>>) target(%dma_start3A_72 : memref<524288xf32, #tpu.memory_space<vmem_shared>>) target_semaphore(%arg11 : memref<!tpu.dma_semaphore, #tpu.memory_space<semaphore_mem>>)
        } else {
        }
      }
      %scan3A_24 = arith.constant 32 : i32
      %run_scoped3A = arith.constant 0 : i32
      "tpu.region"() ({
        %run_scoped3A_25 = tpu.sem_alloc : memref<!tpu.dma_semaphore, #tpu.memory_space<semaphore_mem>>
        %dma_start3A_26 = tpu.memref_slice %arg4[%mul3A_6] : memref<67108864xf32, #tpu.memory_space<hbm>> -> memref<16384xf32, #tpu.memory_space<hbm>>
        %dma_start3A_27 = arith.constant 0 : i32
        %dma_start3A_28 = tpu.memref_slice %arg14[%run_scoped3A, %dma_start3A_27] : memref<2x524288xf32, #tpu.memory_space<vmem_shared>> -> memref<1x524288xf32, #tpu.memory_space<vmem_shared>>
        %dma_start3A_29 = tpu.memref_squeeze %dma_start3A_28 : memref<1x524288xf32, #tpu.memory_space<vmem_shared>> -> memref<524288xf32, #tpu.memory_space<vmem_shared>>
        %dma_start3A_30 = arith.constant 0 : i32
        %dma_start3A_31 = tpu.memref_slice %dma_start3A_29[%dma_start3A_30] : memref<524288xf32, #tpu.memory_space<vmem_shared>> -> memref<16384xf32, #tpu.memory_space<vmem_shared>>
        tpu.enqueue_dma source(%dma_start3A_31 : memref<16384xf32, #tpu.memory_space<vmem_shared>>) target(%dma_start3A_26 : memref<16384xf32, #tpu.memory_space<hbm>>) target_semaphore(%run_scoped3A_25 : memref<!tpu.dma_semaphore, #tpu.memory_space<semaphore_mem>>)
        %dma_wait3A = tpu.memref_slice %arg4[%mul3A_6] : memref<67108864xf32, #tpu.memory_space<hbm>> -> memref<16384xf32, #tpu.memory_space<hbm>>
        %dma_wait3A_32 = arith.constant 0 : i32
        %dma_wait3A_33 = tpu.memref_slice %arg14[%run_scoped3A, %dma_wait3A_32] : memref<2x524288xf32, #tpu.memory_space<vmem_shared>> -> memref<1x524288xf32, #tpu.memory_space<vmem_shared>>
        %dma_wait3A_34 = tpu.memref_squeeze %dma_wait3A_33 : memref<1x524288xf32, #tpu.memory_space<vmem_shared>> -> memref<524288xf32, #tpu.memory_space<vmem_shared>>
        %dma_wait3A_35 = arith.constant 0 : i32
        %dma_wait3A_36 = tpu.memref_slice %dma_wait3A_34[%dma_wait3A_35] : memref<524288xf32, #tpu.memory_space<vmem_shared>> -> memref<16384xf32, #tpu.memory_space<vmem_shared>>
        tpu.wait_dma2 semaphore(%run_scoped3A_25 : memref<!tpu.dma_semaphore, #tpu.memory_space<semaphore_mem>>) src(%dma_wait3A_36 : memref<16384xf32, #tpu.memory_space<vmem_shared>>) dst(%dma_wait3A : memref<16384xf32, #tpu.memory_space<hbm>>)
        tpu.yield
      }) : () -> ()
    } else {
    }
    return
  }
}

</mosaic_0001>

<sc_bundles>
// kernel: kernel.3.cloned.1.call-start
scs
__scs_entry_jumppad:
0x0: {  	(pc) =	sbr.rel $0x88, $3  }
0x1: {  	(tag) =	ssettag $0x0;
	lr =	simm.s32 $0x1  }
0x2: {  	[smem:$0x3F9F] =	sst lr;
	_ =	strace $0xD0000000  }
0x3: {  	_ = 	snop  }
0x4: {  	_ = 	snop  }
0x5: {  	_ = 	snop  }
0x6: {  	_ = 	snop  }
0x7: {  	_ = 	snop  }
__scs_overlays_trampoline_lowered:
0x8: {  	[smem:$0x3FAE] =	sst s0  }
0x9: {  	[smem:$0x3FAF] =	sst s1  }
0xa: {  	[smem:$0x3FB0] =	sst s2  }
0xb: {  	[smem:$0x3FB1] =	sst s3  }
0xc: {  	[smem:$0x3FB2] =	sst s4  }
0xd: {  	[smem:$0x3FB3] =	sst s5  }
0xe: {  	[smem:$0x3FB4] =	sst s6  }
0xf: {  	[smem:$0x3FB5] =	sst s7  }
0x10: {  	[smem:$0x3FB6] =	sst s8  }
0x11: {  	[smem:$0x3FB7] =	sst s9;
	s0 =	simm.s32 @!p0 $0x0  }
0x12: {  	s1 =	sld [smem:$0x3F9D];
	s0 =	simm.s32 @p0 $0x1  }
0x13: {  	[smem:$0x3FB8] =	sst s0;
	s0 =	simm.s32 @!p1 $0x0  }
0x14: {  	s2 =	sld [smem:$0x3F9C];
	s0 =	simm.s32 @p1 $0x1  }
0x15: {  	[smem:$0x3FB9] =	sst s0;
	s0 =	simm.s32 @!p2 $0x0  }
0x16: {  	s3 =	sld [smem:$0x3FDB];
	s0 =	simm.s32 @p2 $0x1  }
0x17: {  	s4 =	simm.s32 $0x1BF5;
	[smem:$0x3FBB] =	sst s0  }
0x18: {  	s0 =	sld [smem:$0x3F9E];
	_ =	swait.ge [sflag:s4], $0x0  }
0x19: {  	s7 =	sld [smem:$0x3F9F]  }
0x1a: {  	s8 =	sadd.s32 $0xFFFFE003, lr  }
0x1b: {  	s9 =	sadd.s32 $0xFFFFFEF7, lr;
	s5 =	simm.s32 $0xFFFFFFFF;
	p2 =	slt.u32 s8, $0xFFFFF086  }
0x1c: {  	p1 =	slt.u32 s9, $0xF7A;
	s5 =	simm.s32 @!p2 $0x0  }
0x1d: {  	s5 =	simm.s32 @p1 $0x1;
	p0 =	seq.s32 s7, s2  }
0x1e: {  	s7 =	smul.u32 @!p0 $0xF7A, s2;
	p2 =	seq.s32 @!p0 s5, $0x0  }
0x1f: {  	s9 =	smul.u32 $0xF7A, s1;
	s8 =	simm.s32 @!p0 $0x1BF5;
	p2 =	por !p2, p0  }
0x20: {  	[sflag:s8] =	ssyncset.s32 @!p0 $0xFFFFF086;
	s6 =	sadd.s32 @!p0 s3, s7;
	s7 =	simm.s32 @!p0 $0x108  }
0x21: {  	s3 =	sadd.s32 s3, s9;
	s6 =	sadd.s32 @!p0 $0x88, s6;
	s7 =	simm.s32 @p2 $0x1082  }
0x22: {  	[simem:s7], [sflag:s8] =	dma.local @!p0 [hbm:s6], $0xF7A  }
0x23: {  	s9 =	sor.u32 $0xD0000000, s2;
	s6 =	simm.s32 $0x108;
	_ =	swait.ge @!p0 [sflag:s8], $0x0  }
0x24: {  	s3 =	sadd.s32 $0x88, s3;
	s6 =	simm.s32 @!p1 $0x1082;
	[sflag:s4] =	ssyncset.s32 $0xFFFFF086  }
0x25: {  	[simem:s6], [sflag:s4] =	dma.local [hbm:s3], $0xF7A  }
0x26: {  	[smem:$0x3F9F] =	sst s1;
	(tag) =	ssettag s2;
	_ =	strace s9  }
0x27: {  	s1 =	sld [smem:$0x3FAF]  }
0x28: {  	s2 =	sld [smem:$0x3FB0]  }
0x29: {  	s4 =	sld [smem:$0x3FB2]  }
0x2a: {  	p0 =	seq.s32 s5, $0x0;
	s5 =	sld [smem:$0x3FB3]  }
0x2b: {  	s6 =	sld [smem:$0x3FB4]  }
0x2c: {  	s7 =	sld [smem:$0x3FB5]  }
0x2d: {  	s3 =	simm.s32 $0x108;
	s8 =	sld [smem:$0x3FB6]  }
0x2e: {  	s3 =	simm.s32 @!p0 $0x1082;
	s9 =	sld [smem:$0x3FB7]  }
0x2f: {  	lr =	sadd.s32 s0, s3;
	s0 =	sld [smem:$0x3FAE]  }
0x30: {  	s3 =	sld [smem:$0x3FB1]  }
0x31: {  	[smem:$0x3FBA] =	sst s10  }
0x32: {  	s10 =	sld [smem:$0x3FB8];
	_ =	sdelay $0x3  }
0x33: {  	p0 =	seq.s32 s10, $0x1;
	s10 =	sld [smem:$0x3FBA];
	_ =	sdelay $0x3  }
0x34: {  	[smem:$0x3FBA] =	sst s10  }
0x35: {  	s10 =	sld [smem:$0x3FB9];
	_ =	sdelay $0x3  }
0x36: {  	p1 =	seq.s32 s10, $0x1;
	s10 =	sld [smem:$0x3FBA];
	_ =	sdelay $0x3  }
0x37: {  	[smem:$0x3FBA] =	sst s10  }
0x38: {  	s10 =	sld [smem:$0x3FBB]  }
0x39: {  	_ = 	snop;
	(pc) =	sbr.ind lr, $3  }
0x3a: {  	_ = 	snop  }
0x3b: {  	_ = 	snop  }
0x3c: {  	p2 =	seq.s32 s10, $0x1;
	s10 =	sld [smem:$0x3FBA]  }
0x3d: {  	_ =	shalt  }
0x3e: {  	_ =	shalt  }
0x3f: {  	_ =	shalt  }
0x40: {  	_ =	shalt  }
0x41: {  	_ =	shalt  }
0x42: {  	_ =	shalt  }
0x43: {  	_ =	shalt  }
0x44: {  	_ =	shalt  }
0x45: {  	_ =	shalt  }
0x46: {  	_ =	shalt  }
0x47: {  	_ =	shalt  }
0x48: {  	_ =	shalt  }
0x49: {  	_ =	shalt  }
0x4a: {  	_ =	shalt  }
0x4b: {  	_ =	shalt  }
0x4c: {  	_ =	shalt  }
0x4d: {  	_ =	shalt  }
0x4e: {  	_ =	shalt  }
0x4f: {  	_ =	shalt  }
0x50: {  	_ =	shalt  }
0x51: {  	_ =	shalt  }
0x52: {  	_ =	shalt  }
0x53: {  	_ =	shalt  }
0x54: {  	_ =	shalt  }
0x55: {  	_ =	shalt  }
0x56: {  	_ =	shalt  }
0x57: {  	_ =	shalt  }
0x58: {  	_ =	shalt  }
0x59: {  	_ =	shalt  }
0x5a: {  	_ =	shalt  }
0x5b: {  	_ =	shalt  }
0x5c: {  	_ =	shalt  }
0x5d: {  	_ =	shalt  }
0x5e: {  	_ =	shalt  }
0x5f: {  	_ =	shalt  }
0x60: {  	_ =	shalt  }
0x61: {  	_ =	shalt  }
0x62: {  	_ =	shalt  }
0x63: {  	_ =	shalt  }
0x64: {  	_ =	shalt  }
0x65: {  	_ =	shalt  }
0x66: {  	_ =	shalt  }
0x67: {  	_ =	shalt  }
0x68: {  	_ =	shalt  }
0x69: {  	_ =	shalt  }
0x6a: {  	_ =	shalt  }
0x6b: {  	_ =	shalt  }
0x6c: {  	_ =	shalt  }
0x6d: {  	_ =	shalt  }
0x6e: {  	_ =	shalt  }
0x6f: {  	_ =	shalt  }
0x70: {  	_ =	shalt  }
0x71: {  	_ =	shalt  }
0x72: {  	_ =	shalt  }
0x73: {  	_ =	shalt  }
0x74: {  	_ =	shalt  }
0x75: {  	_ =	shalt  }
0x76: {  	_ =	shalt  }
0x77: {  	_ =	shalt  }
0x78: {  	_ =	shalt  }
0x79: {  	_ =	shalt  }
0x7a: {  	_ =	shalt  }
0x7b: {  	_ =	shalt  }
0x7c: {  	_ =	shalt  }
0x7d: {  	_ =	shalt  }
0x7e: {  	_ =	shalt  }
0x7f: {  	_ =	shalt  }
0x80: {  	_ =	shalt  }
0x81: {  	_ =	shalt  }
0x82: {  	_ =	shalt  }
0x83: {  	_ =	shalt  }
0x84: {  	_ =	shalt  }
0x85: {  	_ =	shalt  }
0x86: {  	_ =	shalt  }
0x87: {  	_ =	shalt  }
.Lfunc_end0:
.L_simem_size_0:
called_computation.1_lowered:
.L_overlay_start_0:
0x88: {  	s2 =	sld [smem:$0x3FD9]  }
0x89: {  	s3 =	sld [smem:$0x3FFE];
	_ =	sdelay $0x1  }
0x8a: {  	s1 =	srdreg.scid  }
0x8b: {  	s0 =	sand.u32 $0x1, s1  }
0x8c: {  	s17 =	sshll.u32 s0, $0xA;
	s2 =	sadd.s32 s3, s2  }
0x8d: {  	s2 =	sadd.s32 s2, s17  }
0x8e: {  	[smem:$0x3FC6] =	sst s2  }
0x8f: {  	_ = 	snop  }
0x90: {  	s2 =	sld [smem:$0x3FC8]  }
0x91: {  	s18 =	sld [smem:$0x3FD0];
	(tm) =	ssettm $0x1  }
0x92: {  	s4 =	sld [smem:$0x3FFB];
	_ =	sdelay $0x3  }
0x93: {  	_ =	strace s4  }
0x94: {  	s4 =	sld [smem:$0x3FFC];
	_ =	sdelay $0x3  }
0x95: {  	_ =	strace s4  }
0x96: {  	s4 =	sld [smem:$0x3FFD];
	_ =	sdelay $0x3  }
0x97: {  	_ =	strace s4  }
0x98: {  	_ =	strace $0x8FFFFFFF  }
0x99: {  	s19 =	sld [smem:$0x3FDB];
	_ =	sdelay $0x1  }
0x9a: {  	s5 =	simm.s32 $_scs_section_size  }
0x9b: {  	s6 =	simm.s32 $_size__tile_overlayer_lowered;
	s7 =	simm.s32 $_tile_overlayer_lowered  }
0x9c: {  	s22 =	simm.s32 $0x1BFF;
	s21 =	sshll.u32 s7, $0x1;
	s4 =	sadd.s32 s5, s19  }
0x9d: {  	s8 =	simm.s32 $0x0;
	s20 =	sshll.u32 s6, $0x1;
	s6 =	sadd.s32 s21, s4  }
0x9e: {  	[timem:s8], [sflag:s22] =	dma.local [hbm:s6], s20  }
0x9f: {  	_ =	swait.ge [sflag:s22], s20  }
0xa0: {  	s5 =	ssub.s32 $0x0, s20;
	[sflag:s22] =	ssyncset.done $0x0  }
0xa1: {  	[sflag:s22] =	ssyncadd.s32 s5;
	_ =	sdelay $0x1  }
0xa2: {  	s23 =	simm.s32 $0x1B8B  }
0xa3: {  	_ =	swait.ge [sflag:s23], $0x1  }
0xa4: {  	[sflag:s23] =	ssyncset.done $0x0  }
0xa5: {  	s25 =	simm.s32 $0x1B8E;
	s24 =	sld [smem:$0x3FFE];
	[sflag:s23] =	ssyncadd.s32 $0xFFFFFFFF  }
0xa6: {  	s26 =	simm.s32 $execute0_lowered;
	[smem:$0x3FD2] =	sst s25  }
0xa7: {  	s6 =	sshll.u32 s26, $0x1;
	_ =	strace $0x80000049;
	[dreg:$0x1] =	wrdreg $0xFFFFFFFF  }
0xa8: {  	s28 =	simm.s32 $_size_execute0_lowered;
	s4 =	sadd.s32 s4, s6;
	[dreg:$0x0] =	wrdreg $0x0  }
0xa9: {  	s6 =	sshll.u32 s28, $0x1;
	[dreg:$0x2] =	wrdreg s4  }
0xaa: {  	[dreg:$0x3] =	wrdreg s6  }
0xab: {  	[dreg:$0x4] =	wrdreg $0xC0  }
0xac: {  	_ =	task [dreg:s8], $0x5FFFF  }
0xad: {  	[dreg:$0x1] =	wrdreg $0xFFFFFFFF  }
0xae: {  	[dreg:$0x0] =	wrdreg $0x60  }
0xaf: {  	[dreg:$0x2] =	wrdreg s18  }
0xb0: {  	[dreg:$0x3] =	wrdreg s2  }
0xb1: {  	[dreg:$0x4] =	wrdreg s24  }
0xb2: {  	[dreg:$0x5] =	wrdreg $0x10000  }
0xb3: {  	[dreg:$0x6] =	wrdreg $0x9  }
0xb4: {  	_ =	task.clear_ibuf [dreg:s8], $0x7FFFF;
	_ =	strace $0x90000049  }
0xb5: {  	s29 =	simm.s32 $0x9;
	_ =	strace $0x8000004B  }
0xb6: {  	_ =	swait.ge [sflag:s29], $0x1  }
0xb7: {  	[sflag:s29] =	ssyncadd.s32 $0xFFFFFFFF  }
0xb8: {  	_ =	strace $0x9000004B  }
0xb9: {  	_ =	sfence  }
0xba: {  	s30 =	sld [smem:$0x0];
	_ =	sdelay $0x2  }
0xbb: {  	s31 =	sshll.u32 s1, $0xD;
	s1 =	sshrl.u32 s1, $0x2  }
0xbc: {  	s3 =	sand.u32 $0x4000, s31;
	s1 =	sadd.s32 s1, s30  }
0xbd: {  	s0 =	sor.u32 s3, s0;
	s1 =	sshll.u32 s1, $0x11  }
0xbe: {  	s0 =	sor.u32 s1, s0  }
0xbf: {  	s0 =	sadd.s32 $0x8F2B, s0  }
0xc0: {  	[sflag:s0] =	ssyncadd.remote.s32 $0x1  }
0xc1: {  	_ =	sfence.sel $0xFFFF  }
0xc2: {  	[dreg:$0x0] =	wrdreg $0xFFFFFFFF;
	(pc) =	sbr.abs _section_cstart, $3  }
0xc3: {  	[dreg:$0x1] =	wrdreg $0xFFFFFFFF  }
0xc4: {  	_ =	task.clear_ibuf [dreg:s8], $0x2FFFF;
	_ =	strace $0x9FFFFFFF  }
0xc5: {  	(tm) =	ssettm $0x7FFFFFFF  }
tec
execute0_lowered:
.L_overlay_start_1:
0x0: {  	(tag) =	ssettag $0x1  }
0x1: {  	s3 =	rddreg [dreg:$0x0]  }
0x2: {  	s1 =	rddreg [dreg:$0x1]  }
0x3: {  	s4 =	rddreg [dreg:$0x2]  }
0x4: {  	s9 =	rddreg [dreg:$0x3];
	s5 =	srdreg.scid  }
0x5: {  	s0 =	rddreg [dreg:$0x4];
	s2 =	simm.s32 $0x0;
	s8 =	stileid.u32  }
0x6: {  	s10 =	simm.s32 $0x1C02;
	s12 =	simm.s32 $0x1;
	s13 =	simm.s32 $0x2  }
0x7: {  	s14 =	simm.s32 $0x1C03;
	s15 =	simm.s32 $0x0;
	s5 =	sand.u32 $0x1, s5  }
0x8: {  	[smem:$0x7FF] =	sst s2;
	s11 =	sadd.s32 $0x80000, s9;
	p0 =	sne.s32 s8, $0x0  }
.Ltmp0:
0x9: {  	s8 =	simm.s32 $0x1C01;
	s9 =	sshrl.u32 s9, $0x3;
	(pc) =	sbr.rel .LBB2_1-.Ltmp0, $4  }
0xa: {  	s6 =	sshll.u32 s5, $0x16;
	_ =	strace $0x8000004A;
	s30 =	ssub.s32 $0x2, s5  }
0xb: {  	s11 =	sshrl.u32 s11, $0x3;
	s5 =	sshrl.u32 s30, $0x1;
	s3 =	sadd.s32 s3, s6  }
0xc: {  	s7 =	sadd.s32 s6, s4;
	s31 =	ssub.s32 s30, s5;
	s4 =	sadd.s32 $0x10000, s3  }
0xd: {  	s5 =	sadd.s32 $0x800, s7;
	s7 =	simm.s32 $0x3;
	s6 =	smax.u32 s31, $0x1  }
.LBB2_5:
0xe: {  	s15 =	sadd.s32 $0x1, s15  }
0xf: {  	p1 =	sne.s32 s15, s6  }
.Ltmp1:
0x10: {  	_ = 	snop;
	(pc) =	sbr.rel @!p1 .LBB2_6-.Ltmp1, $1  }
0x11: {  	_ =	sdelay $0x3  }
.LBB2_1:
.Ltmp2:
0x12: {  	(pc) =	sbr.rel @p0 .LBB2_5-.Ltmp2, $4  }
0x13: {  	[tilespmem:s2], [sflag:$0x3] =	stream.linear.gather [hbm4b:s1+s2], $0x1000, $0x38;
	[tilespmem:$0x11000] =	vst v63  }
0x14: {  	_ =	swait.ge [sflag:s7], $0x1000  }
0x15: {  	[sflag:s7] =	ssyncset.done $0x0  }
0x16: {  	[sflag:s7] =	ssyncadd.s32 $0xFFFFF000  }
0x17: {  	[spmem:s9], [sflag:s8] =	dma.local [hbm:s3], $0x10000  }
0x18: {  	[spmem:s11], [sflag:s10] =	dma.local [hbm:s4], $0x10000  }
0x19: {  	_ =	swait.ge [sflag:s12], $0x10000  }
0x1a: {  	s17 =	sadd.s32 $0xFFC20000, s3;
	[sflag:s12] =	ssyncset.done $0x0  }
0x1b: {  	s16 =	sadd.s32 $0x400000, s17;
	[sflag:s12] =	ssyncadd.s32 $0xFFFF0000  }
0x1c: {  	[spmem:s9], [sflag:s8] =	dma.local [hbm:s16], $0x10000  }
0x1d: {  	_ =	swait.ge [sflag:s13], $0x10000  }
0x1e: {  	[sflag:s13] =	ssyncset.done $0x0  }
0x1f: {  	s17 =	sadd.s32 $0x410000, s17;
	s16 =	simm.s32 $0xFFC40000;
	[sflag:s13] =	ssyncadd.s32 $0xFFFF0000  }
.LBB2_3:
0x20: {  	[spmem:s11], [sflag:s10] =	dma.local [hbm:s17], $0x10000  }
0x21: {  	s17 =	smov.u32 s16  }
0x22: {  	p1 =	sne.s32 s16, $0xFFFE0000;
	s16 =	sadd.s32 $0x20000, s16;
	_ =	swait.ge [sflag:s12], $0x10000  }
0x23: {  	s17 =	sadd.s32 s17, s3;
	[sflag:s12] =	ssyncset.done $0x0  }
.Ltmp3:
0x24: {  	s18 =	sadd.s32 $0x400000, s17;
	[sflag:s12] =	ssyncadd.s32 $0xFFFF0000;
	(pc) =	sbr.rel @p1 .LBB2_3-.Ltmp3, $4  }
0x25: {  	[spmem:s9], [sflag:s8] =	dma.local [hbm:s18], $0x10000  }
0x26: {  	_ =	swait.ge [sflag:s13], $0x10000  }
0x27: {  	[sflag:s13] =	ssyncset.done $0x0  }
0x28: {  	s17 =	sadd.s32 $0x410000, s17;
	[sflag:s13] =	ssyncadd.s32 $0xFFFF0000  }
0x29: {  	[spmem:s11], [sflag:s10] =	dma.local [hbm:s17], $0x10000  }
0x2a: {  	_ =	swait.ge [sflag:s12], $0x10000  }
0x2b: {  	[sflag:s12] =	ssyncset.done $0x0  }
0x2c: {  	[sflag:s12] =	ssyncadd.s32 $0xFFFF0000  }
0x2d: {  	_ =	swait.ge [sflag:s13], $0x10000  }
0x2e: {  	[sflag:s13] =	ssyncset.done $0x0  }
.Ltmp4:
0x2f: {  	[sflag:s13] =	ssyncadd.s32 $0xFFFF0000;
	(pc) =	sbr.rel .LBB2_5-.Ltmp4, $4  }
0x30: {  	[hbm:s5], [sflag:s14] =	dma.local [spmem:s9], $0x800  }
0x31: {  	_ =	swait.ge [sflag:s7], $0x800  }
0x32: {  	[sflag:s7] =	ssyncset.done $0x0  }
0x33: {  	[sflag:s7] =	ssyncadd.s32 $0xFFFFF800  }
.LBB2_6:
0x34: {  	_ =	sfence.sel $0x180000  }
0x35: {  	[bflag:$0x0] =	sbarrier.arrive $0xFFFF  }
0x36: {  	_ =	strace $0x9000004A  }
0x37: {  	s0 =	sadd.s32 @!p0 $0x100000, s0;
	[bflag:$0x2] =	sbarrier.arrive $0xFFFF  }
0x38: {  	[sflag:s0] =	ssyncadd.tile.s32 @!p0 $0x1;
	_ =	shalt  }
.Lfunc_end2:
_tile_overlayer_lowered:
.L_overlay_start_2:
0x39: {  	(tag) =	ssettag $0x2  }
0x3a: {  	s0 =	rddreg [dreg:$0x0];
	s2 =	stileid.u32  }
0x3b: {  	s1 =	rddreg [dreg:$0x1];
	p0 =	sne.s32 s2, $0x0  }
0x3c: {  	s3 =	rddreg [dreg:$0x2];
	[bflag:$0x3] =	sbarrier.arrive $0xFFFF;
	s2 =	simm.s32 @!p0 $0x1C03  }
0x3d: {  	[timem:s3], [sflag:s2] =	dma.local @!p0 [hbm:s0], s1  }
0x3e: {  	s0 =	simm.s32 @!p0 $0x3  }
0x3f: {  	_ =	swait.ge @!p0 [sflag:s0], s1  }
0x40: {  	s1 =	ssub.s32 @!p0 $0x0, s1;
	[sflag:s0] =	ssyncset.done @!p0 $0x0  }
0x41: {  	[sflag:s0] =	ssyncadd.s32 @!p0 s1  }
0x42: {  	[bflag:$0x3] =	sbarrier.arrive $0xFFFF  }
0x43: {  	_ =	shalt  }

// kernel: sparse-core-data-format-call.cloned.1.call-start
scs
called_computation_lowered:
.L_overlay_start_0:
0x0: {  	s2 =	sld [smem:$0x3FD9]  }
0x1: {  	s3 =	sld [smem:$0x3FFE];
	_ =	sdelay $0x1  }
0x2: {  	s1 =	srdreg.scid  }
0x3: {  	s0 =	sand.u32 $0x1, s1  }
0x4: {  	s19 =	sshll.u32 s0, $0xA;
	s2 =	sadd.s32 s3, s2  }
0x5: {  	s2 =	sadd.s32 s2, s19  }
0x6: {  	[smem:$0x3FC6] =	sst s2  }
0x7: {  	_ = 	snop  }
0x8: {  	s2 =	sld [smem:$0x3FC9]  }
0x9: {  	s20 =	sld [smem:$0x3FD0];
	(tm) =	ssettm $0x1  }
0xa: {  	s4 =	sld [smem:$0x3FFB];
	_ =	sdelay $0x3  }
0xb: {  	_ =	strace s4  }
0xc: {  	s4 =	sld [smem:$0x3FFC];
	_ =	sdelay $0x3  }
0xd: {  	_ =	strace s4  }
0xe: {  	s4 =	sld [smem:$0x3FFD];
	_ =	sdelay $0x3  }
0xf: {  	_ =	strace s4  }
0x10: {  	_ =	strace $0x8FFFFFFF  }
0x11: {  	s21 =	sld [smem:$0x3FDB];
	_ =	sdelay $0x1  }
0x12: {  	s5 =	simm.s32 $_scs_section_size  }
0x13: {  	s6 =	simm.s32 $_size__tile_overlayer_lowered;
	s7 =	simm.s32 $_tile_overlayer_lowered  }
0x14: {  	s24 =	simm.s32 $0x1BFF;
	s23 =	sshll.u32 s7, $0x1;
	s4 =	sadd.s32 s5, s21  }
0x15: {  	s8 =	simm.s32 $0x0;
	s22 =	sshll.u32 s6, $0x1;
	s6 =	sadd.s32 s23, s4  }
0x16: {  	[timem:s8], [sflag:s24] =	dma.local [hbm:s6], s22  }
0x17: {  	_ =	swait.ge [sflag:s24], s22  }
0x18: {  	s5 =	ssub.s32 $0x0, s22;
	[sflag:s24] =	ssyncset.done $0x0  }
0x19: {  	[sflag:s24] =	ssyncadd.s32 s5;
	_ =	sdelay $0x1  }
0x1a: {  	s25 =	simm.s32 $0x1B8B  }
0x1b: {  	_ =	swait.ge [sflag:s25], $0x1  }
0x1c: {  	[sflag:s25] =	ssyncset.done $0x0  }
0x1d: {  	s26 =	simm.s32 $0x1B8E;
	[sflag:s25] =	ssyncadd.s32 $0xFFFFFFFF  }
0x1e: {  	s27 =	simm.s32 $execute0_lowered;
	[smem:$0x3FD2] =	sst s26  }
0x1f: {  	s5 =	sshll.u32 s27, $0x1;
	_ =	strace $0x80000046;
	[dreg:$0x1] =	wrdreg $0xFFFFFFFF  }
0x20: {  	s28 =	simm.s32 $_size_execute0_lowered;
	s4 =	sadd.s32 s4, s5;
	[dreg:$0x0] =	wrdreg $0x0  }
0x21: {  	s5 =	sshll.u32 s28, $0x1;
	[dreg:$0x2] =	wrdreg s4  }
0x22: {  	[dreg:$0x3] =	wrdreg s5  }
0x23: {  	[dreg:$0x4] =	wrdreg $0xC0  }
0x24: {  	_ =	task [dreg:s8], $0x5FFFF  }
0x25: {  	[dreg:$0x1] =	wrdreg $0xFFFFFFFF  }
0x26: {  	[dreg:$0x0] =	wrdreg $0x60  }
0x27: {  	[dreg:$0x2] =	wrdreg s2  }
0x28: {  	[dreg:$0x3] =	wrdreg s20  }
0x29: {  	[dreg:$0x4] =	wrdreg $0x9  }
0x2a: {  	_ =	task.clear_ibuf [dreg:s8], $0x5FFFF;
	_ =	strace $0x90000046  }
0x2b: {  	s29 =	simm.s32 $0x9;
	_ =	strace $0x80000048  }
0x2c: {  	_ =	swait.ge [sflag:s29], $0x1  }
0x2d: {  	[sflag:s29] =	ssyncadd.s32 $0xFFFFFFFF  }
0x2e: {  	_ =	strace $0x90000048  }
0x2f: {  	_ =	sfence  }
0x30: {  	s30 =	sld [smem:$0x0];
	_ =	sdelay $0x2  }
0x31: {  	s31 =	sshll.u32 s1, $0xD;
	s1 =	sshrl.u32 s1, $0x2  }
0x32: {  	s3 =	sand.u32 $0x4000, s31;
	s1 =	sadd.s32 s1, s30  }
0x33: {  	s0 =	sor.u32 s3, s0;
	s1 =	sshll.u32 s1, $0x11  }
0x34: {  	s0 =	sor.u32 s1, s0  }
0x35: {  	s0 =	sadd.s32 $0x8F2B, s0  }
0x36: {  	[sflag:s0] =	ssyncadd.remote.s32 $0x1  }
0x37: {  	_ =	sfence.sel $0xFFFF  }
0x38: {  	[dreg:$0x0] =	wrdreg $0xFFFFFFFF;
	(pc) =	sbr.abs _section_cstart, $3  }
0x39: {  	[dreg:$0x1] =	wrdreg $0xFFFFFFFF  }
0x3a: {  	_ =	task.clear_ibuf [dreg:s8], $0x2FFFF;
	_ =	strace $0x9FFFFFFF  }
0x3b: {  	(tm) =	ssettm $0x7FFFFFFF  }
tec
execute0_lowered:
.L_overlay_start_1:
0x0: {  	(tag) =	ssettag $0x1  }
0x1: {  	s2 =	rddreg [dreg:$0x0]  }
0x2: {  	s3 =	rddreg [dreg:$0x1]  }
0x3: {  	s0 =	rddreg [dreg:$0x2];
	_ =	strace $0x80000047  }
0x4: {  	s4 =	srdreg.scid;
	s1 =	stileid.u32;
	s6 =	simm.s32 $0x2  }
.Ltmp0:
0x5: {  	s11 =	simm.s32 $0x0;
	p0 =	por $0x0, $0x0;
	(pc) =	sbr.rel .LBB1_1-.Ltmp0, $4  }
0x6: {  	s7 =	simm.s32 $0x1000;
	s12 =	simm.s32 $0x0;
	s5 =	sshll.u32 s4, $0x4  }
0x7: {  	s9 =	simm.s32 $0x0;
	s4 =	simm.s32 $0x1;
	s5 =	sand.u32 $0x10, s5  }
0x8: {  	s8 =	simm.s32 $0x0;
	[sflag:s4] =	ssyncpa.u1 $0x0;
	s5 =	sor.u32 s1, s5  }
0x9: {  	[sflag:s6] =	ssyncpa.u1 $0x0;
	s6 =	simm.s32 $0x800;
	s10 =	smov.u32 s5  }
.LBB1_7:
0xa: {  	s13 =	sadd.s32 $0x10, s9  }
0xb: {  	s11 =	sadd.s32 $0x20, s10;
	s15 =	smov.u32 s10;
	p2 =	sgt.s32 s13, $0x1F  }
0xc: {  	p1 =	slt.u32 s8, $0x2;
	s15 =	smov.u32 @p2 s11  }
0xd: {  	s8 =	sadd.s32 $0x1, s8;
	s13 =	simm.s32 @p2 $0x0;
	p2 =	sgt.s32 s15, $0x7FF  }
0xe: {  	s15 =	smov.u32 @p2 s5;
	p2 =	sne.s32 s8, $0x82  }
.Ltmp1:
0xf: {  	_ = 	snop;
	(pc) =	sbr.rel @!p2 .LBB1_8-.Ltmp1, $4  }
0x10: {  	s14 =	simm.s32 @!p1 $0x2  }
0x11: {  	s12 =	smov.u32 s10;
	_ =	swait.ge @!p1 [sflag:s14], $0x4000  }
0x12: {  	p0 =	por !p0, !p0;
	s11 =	smov.u32 s9;
	[sflag:s14] =	ssyncset.done @!p1 $0x0  }
0x13: {  	s9 =	smov.u32 s13;
	[sflag:s14] =	ssyncadd.s32 @!p1 $0xFFFFC000;
	s10 =	smov.u32 s15  }
.LBB1_1:
0x14: {  	p1 =	sgt.u32 s8, $0x7F  }
0x15: {  	s13 =	sxor.u32 @!p1 $0xFFFFFFFF, s8;
	s14 =	sshll.u32 @!p1 s10, $0xC  }
0x16: {  	s15 =	sshll.u32 @!p1 s9, $0x7;
	s13 =	sshll.u32 @!p1 s13, $0xE;
	s14 =	sadd.s32 @!p1 s2, s14  }
0x17: {  	s13 =	sand.u32 @!p1 $0x4000, s13;
	s14 =	sadd.s32 @!p1 s15, s14;
	s15 =	simm.s32 @!p1 $0x0  }
0x18: {  	[tilespmem:s13], [sflag:$0x1] =	stream.linear.gather @!p1 [hbm4b:s14+s15], $0x4000, $0x38;
	[tilespmem:$0x10000] =	vst v63  }
0x19: {  	p1 =	seq.s32 s8, $0x0  }
0x1a: {  	p2 =	seq.s32 @!p1 s8, $0x81  }
0x1b: {  	p1 =	por p1, p2  }
.Ltmp2:
0x1c: {  	_ = 	snop;
	(pc) =	sbr.rel @p1 .LBB1_7-.Ltmp2, $1  }
0x1d: {  	_ =	sdelay $0x3  }
0x1e: {  	s13 =	simm.s32 $0x1;
	_ =	swait.ge [sflag:s4], $0x4000;
	s16 =	sshll.u32 s8, $0xE  }
0x1f: {  	s13 =	simm.s32 @!p0 $0x0;
	[sflag:s4] =	ssyncset.done $0x0;
	s31 =	sand.u32 $0x4000, s16  }
0x20: {  	s16 =	simm.s32 $0x0;
	s14 =	sshll.u32 s13, $0xE;
	[sflag:s4] =	ssyncadd.s32 $0xFFFFC000  }
0x21: {  	s13 =	sor.u32 $0x8040, s14;
	s15 =	sor.u32 $0x40, s14;
	s14 =	sor.u32 $0x8000, s31  }
.LBB1_3:
0x22: {  	v0 =	vmov s15;
	_ =	sdelay $0x3  }
0x23: {  	s18 =	simm.s32 $0x0  }
0x24: {  	v6 =	vld.idx.msk [tilespmem:v0+s18+$0x30 ss:$0x1], $0xffff  }
0x25: {  	v7 =	vld.idx.msk [tilespmem:v0+s18+$0xFFFFFFC0 ss:$0x1], $0xffff  }
0x26: {  	v5 =	vld.idx.msk [tilespmem:v0+s18+$0xFFFFFFD0 ss:$0x1], $0xffff  }
0x27: {  	v4 =	vld.idx.msk [tilespmem:v0+s18+$0xFFFFFFE0 ss:$0x1], $0xffff  }
0x28: {  	v3 =	vld.idx.msk [tilespmem:v0+s18+$0xFFFFFFF0 ss:$0x1], $0xffff  }
0x29: {  	v1 =	vld.idx.msk [tilespmem:v0+s18+$0x0 ss:$0x1], $0xffff  }
0x2a: {  	v2 =	vld.idx.msk [tilespmem:v0+s18+$0x10 ss:$0x1], $0xffff;
	[tilespmem:s13+$0x30] =	vst v6  }
0x2b: {  	s17 =	simm.s32 $0x80;
	s19 =	simm.s32 $0x400;
	[tilespmem:s13+$0xFFFFFFC0] =	vst v7;
	v6 =	vld.idx.msk [tilespmem:v0+s18+$0x20 ss:$0x1], $0xffff;
	s18 =	smov.u32 s13  }
.LBB1_4:
0x2c: {  	p1 =	sne.s32 s19, $0xE00;
	v7 =	vld.idx.msk [tilespmem:v0+s17+$0x30 ss:$0x1], $0xffff;
	[tilespmem:s18+$0xFFFFFFD0] =	vst v5  }
0x2d: {  	v8 =	vld.idx.msk [tilespmem:v0+s17+$0xFFFFFFC0 ss:$0x1], $0xffff;
	[tilespmem:s18+$0xFFFFFFE0] =	vst v4  }
0x2e: {  	v5 =	vld.idx.msk [tilespmem:v0+s17+$0xFFFFFFD0 ss:$0x1], $0xffff;
	[tilespmem:s18+$0xFFFFFFF0] =	vst v3  }
.Ltmp3:
0x2f: {  	v4 =	vld.idx.msk [tilespmem:v0+s17+$0xFFFFFFE0 ss:$0x1], $0xffff;
	[tilespmem:s18+$0x0] =	vst v1;
	(pc) =	sbr.rel @p1 .LBB1_4-.Ltmp3, $4  }
0x30: {  	v3 =	vld.idx.msk [tilespmem:v0+s17+$0xFFFFFFF0 ss:$0x1], $0xffff;
	[tilespmem:s18+$0x10] =	vst v2  }
0x31: {  	v1 =	vld.idx.msk [tilespmem:v0+s17+$0x0 ss:$0x1], $0xffff;
	[tilespmem:s18+$0x20] =	vst v6;
	s18 =	sadd.s32 $0x800, s18  }
0x32: {  	v2 =	vld.idx.msk [tilespmem:v0+s17+$0x10 ss:$0x1], $0xffff;
	[tilespmem:s18+$0x30] =	vst v7  }
0x33: {  	[tilespmem:s18+$0xFFFFFFC0] =	vst v8;
	v6 =	vld.idx.msk [tilespmem:v0+s17+$0x20 ss:$0x1], $0xffff;
	s17 =	sshra.s32 s19, $0x2;
	s19 =	sadd.s32 $0x200, s19  }
0x34: {  	_ =	sdelay $0x2  }
0x35: {  	[tilespmem:s18+$0xFFFFFFD0] =	vst v5  }
0x36: {  	v56 =	vld.idx.msk [tilespmem:v0+s17+$0x30 ss:$0x1], $0xffff;
	[tilespmem:s18+$0xFFFFFFE0] =	vst v4  }
0x37: {  	v57 =	vld.idx.msk [tilespmem:v0+s17+$0xFFFFFFC0 ss:$0x1], $0xffff;
	[tilespmem:s18+$0xFFFFFFF0] =	vst v3  }
0x38: {  	v58 =	vld.idx.msk [tilespmem:v0+s17+$0xFFFFFFD0 ss:$0x1], $0xffff;
	[tilespmem:s18+$0x0] =	vst v1  }
0x39: {  	v59 =	vld.idx.msk [tilespmem:v0+s17+$0xFFFFFFE0 ss:$0x1], $0xffff;
	[tilespmem:s18+$0x10] =	vst v2  }
0x3a: {  	v60 =	vld.idx.msk [tilespmem:v0+s17+$0xFFFFFFF0 ss:$0x1], $0xffff;
	s31 =	sadd.s32 $0x800, s18;
	[tilespmem:s18+$0x20] =	vst v6  }
0x3b: {  	v61 =	vld.idx.msk [tilespmem:v0+s17+$0x0 ss:$0x1], $0xffff;
	[tilespmem:s31+$0x30] =	vst v56  }
0x3c: {  	v62 =	vld.idx.msk [tilespmem:v0+s17+$0x10 ss:$0x1], $0xffff;
	s16 =	sadd.s32 $0x1, s16;
	[tilespmem:s31+$0xFFFFFFC0] =	vst v57  }
0x3d: {  	v63 =	vld.idx.msk [tilespmem:v0+s17+$0x20 ss:$0x1], $0xffff;
	p1 =	sne.s32 s16, $0x10;
	[tilespmem:s31+$0xFFFFFFD0] =	vst v58  }
.Ltmp4:
0x3e: {  	[tilespmem:s31+$0xFFFFFFE0] =	vst v59;
	(pc) =	sbr.rel @p1 .LBB1_3-.Ltmp4, $4  }
0x3f: {  	[tilespmem:s31+$0xFFFFFFF0] =	vst v60  }
0x40: {  	[tilespmem:s31+$0x0] =	vst v61  }
0x41: {  	[tilespmem:s31+$0x10] =	vst v62  }
0x42: {  	s13 =	sadd.s32 $0x80, s13;
	s15 =	sadd.s32 $0x400, s15;
	[tilespmem:s31+$0x20] =	vst v63  }
.Ltmp5:
0x43: {  	(pc) =	sbr.rel .LBB1_7-.Ltmp5, $4  }
0x44: {  	s12 =	sshll.u32 s12, $0xC;
	s11 =	sshll.u32 s11, $0x4  }
0x45: {  	s11 =	sand.u32 $0x1F0, s11;
	s12 =	sadd.s32 s3, s12  }
0x46: {  	s11 =	sadd.s32 s11, s12  }
0x47: {  	[hbm4b:s11+s6] =	stream.strided.scatter [tilespmem:s14], [sflag:$0x2], $0x4000, s7, s6, $0x38;
	[tilespmem:$0x10000] =	vst v63  }
.LBB1_8:
0x48: {  	_ =	sfence.sel $0x180000  }
0x49: {  	s2 =	simm.s32 $0x1;
	[bflag:$0x0] =	sbarrier.arrive $0xFFFF  }
0x4a: {  	s31 =	simm.s32 $0x2;
	[sflag:s2] =	ssyncpa.u1 $0x1  }
0x4b: {  	[sflag:s31] =	ssyncpa.u1 $0x1  }
0x4c: {  	p0 =	sne.s32 s1, $0x0;
	_ =	strace $0x90000047  }
0x4d: {  	s0 =	sadd.s32 @!p0 $0x100000, s0;
	[bflag:$0x2] =	sbarrier.arrive $0xFFFF  }
0x4e: {  	[sflag:s0] =	ssyncadd.tile.s32 @!p0 $0x1;
	_ =	shalt  }
.Lfunc_end1:
_tile_overlayer_lowered:
.L_overlay_start_2:
0x4f: {  	(tag) =	ssettag $0x2  }
0x50: {  	s0 =	rddreg [dreg:$0x0];
	s2 =	stileid.u32  }
0x51: {  	s1 =	rddreg [dreg:$0x1];
	p0 =	sne.s32 s2, $0x0  }
0x52: {  	s3 =	rddreg [dreg:$0x2];
	[bflag:$0x3] =	sbarrier.arrive $0xFFFF;
	s2 =	simm.s32 @!p0 $0x1C01  }
0x53: {  	[timem:s3], [sflag:s2] =	dma.local @!p0 [hbm:s0], s1  }
0x54: {  	s0 =	simm.s32 @!p0 $0x1  }
0x55: {  	_ =	swait.ge @!p0 [sflag:s0], s1  }
0x56: {  	s1 =	ssub.s32 @!p0 $0x0, s1;
	[sflag:s0] =	ssyncset.done @!p0 $0x0  }
0x57: {  	[sflag:s0] =	ssyncadd.s32 @!p0 s1  }
0x58: {  	[bflag:$0x3] =	sbarrier.arrive $0xFFFF  }
0x59: {  	_ =	shalt  }

</sc_bundles>
